<compile_context>
chip_gen: v7x
topology: tpu7x:2x2x1
jax: 0.10.2.dev20260603
libtpu: 0.0.44.dev20260713+nightly
codegen_flags: <defaults>
</compile_context>

<pallas_src>
import functools

import jax
import jax.numpy as jnp
from jax import lax
from jax.experimental import pallas as pl
from jax.experimental.pallas import tpu as pltpu
from jax.experimental.pallas import tpu_sc as plsc

VOCAB = 151936
D_MODEL = 896
BATCH = 1024
SEQ = 200
N_TOK = BATCH * SEQ

NUM_CORES = 2
NUM_SUBCORES = 16
NW = NUM_CORES * NUM_SUBCORES
ROWS_PER_W = N_TOK // NW
CHUNK = 64
STEPS = ROWS_PER_W // CHUNK
NB = 2
LOOK = 1


_sc_mesh = plsc.VectorSubcoreMesh(core_axis_name="c", subcore_axis_name="s")


@functools.partial(
    pl.kernel,
    mesh=_sc_mesh,
    out_type=jax.ShapeDtypeStruct((N_TOK, D_MODEL), jnp.float32),
    scratch_types=[
        pltpu.VMEM((ROWS_PER_W,), jnp.int32),
        pltpu.VMEM((CHUNK, D_MODEL), jnp.float32),
        pltpu.VMEM((CHUNK, D_MODEL), jnp.float32),
        pltpu.SemaphoreType.DMA,
        pltpu.SemaphoreType.DMA,
        pltpu.SemaphoreType.DMA,
        pltpu.SemaphoreType.DMA,
    ],
)
def _sc_gather(idx_hbm, table_hbm, out_hbm, idx_v, b0, b1,
               g0, g1, s0, s1):
    bufs = (b0, b1)
    gsem = (g0, g1)
    ssem = (s0, s1)
    wid = lax.axis_index("s") * NUM_CORES + lax.axis_index("c")
    base = wid * ROWS_PER_W
    pltpu.sync_copy(idx_hbm.at[wid], idx_v)

    def gather(c, b):
        return pltpu.make_async_copy(
            table_hbm.at[idx_v.at[pl.ds(c * CHUNK, CHUNK)]], bufs[b], gsem[b])

    def store(c, b):
        return pltpu.make_async_copy(
            bufs[b], out_hbm.at[pl.ds(base + c * CHUNK, CHUNK)], ssem[b])

    for c in range(LOOK):
        gather(c, c % NB).start()

    @pl.loop(0, STEPS, step=NB)
    def _(j):
        for b in range(NB):
            c = j + b
            bg = (b + LOOK) % NB

            @pl.when(c + LOOK < STEPS)
            def _launch():
                @pl.when(c >= NB - LOOK)
                def _drain_prev():
                    store(c, bg).wait()
                gather(c + LOOK, bg).start()

            gather(c, b).wait()
            store(c, b).start()

    for b in range(NB):
        store(0, b).wait()


def _mask_body(ilens_ref, out_ref):
    pos = lax.broadcasted_iota(jnp.int32, (BATCH, SEQ), 1)
    out_ref[...] = (pos < ilens_ref[...]).astype(jnp.int32)


_mask_call = pl.pallas_call(
    _mask_body,
    out_shape=jax.ShapeDtypeStruct((BATCH, SEQ), jnp.int32),
)


def kernel(input_ids, ilens, embed_table):
    idx2 = input_ids.reshape(NW, ROWS_PER_W)
    flat = _sc_gather(idx2, embed_table)
    outs = flat.reshape(BATCH, SEQ, D_MODEL)
    masks = _mask_call(ilens.reshape(BATCH, 1))
    return (outs, masks)

# --- scband reference (transcript-rebuilt; emitter-appended) ---
"""Pipeline reference for scband-qwen-input-only-encoder-36507222016321 (READ-ONLY COPY).

The authoritative reference and input builder live on the scoring server;
editing this copy changes nothing except your own understanding.
"""

import jax, jax.numpy as jnp
import numpy as np

VOCAB = 151936
D_MODEL = 896
BATCH = 1024
SEQ = 200


def setup_inputs(seed: int = 0) -> dict:
    key = jax.random.key(seed)
    k1, k2, k3 = jax.random.split(key, 3)
    input_ids = jax.random.randint(k1, (BATCH, SEQ), 0, VOCAB, dtype=jnp.int64 if jax.config.jax_enable_x64 else jnp.int32).astype(jnp.int32)
    # lengths in [1, SEQ]
    ilens = jax.random.randint(k2, (BATCH,), 1, SEQ + 1).astype(jnp.int32)
    embed_table = jax.random.normal(k3, (VOCAB, D_MODEL), dtype=jnp.float32) * 0.02
    return {"input_ids": input_ids, "ilens": ilens, "embed_table": embed_table}


def make_pad_mask(ilens, max_len):
    # True where padded (position >= length)
    pos = jnp.arange(max_len)[None, :]
    return pos >= ilens[:, None]


def reference(input_ids, ilens, embed_table):
    L = input_ids.shape[1]
    input_masks = (~make_pad_mask(ilens, L)).astype(jnp.int32)
    # frozen embedding lookup: gather rows from table
    outs = jnp.take(embed_table, input_ids, axis=0)
    return (outs, input_masks)

if __name__ == "__main__":
    import jax
    _d = setup_inputs()
    print(jax.jit(kernel)(*tuple(_d.values())))

</pallas_src>

<mosaic_0001>
#map = affine_map<(d0, d1) -> (0, 0)>
module attributes {stable_mosaic.version = 14 : i64} {
  func.func @_sc_gather(%arg0: i32, %arg1: i32, %arg2: memref<32x6400xi32, #tpu.memory_space<hbm>>, %arg3: memref<151936x896xf32, #tpu.memory_space<hbm>>, %arg4: memref<204800x896xf32, #tpu.memory_space<hbm>>, %arg5: memref<6400xi32, #tpu.memory_space<vmem>>, %arg6: memref<64x896xf32, #tpu.memory_space<vmem>>, %arg7: memref<64x896xf32, #tpu.memory_space<vmem>>, %arg8: memref<!tpu.dma_semaphore, #tpu.memory_space<semaphore_mem>>, %arg9: memref<!tpu.dma_semaphore, #tpu.memory_space<semaphore_mem>>, %arg10: memref<!tpu.dma_semaphore, #tpu.memory_space<semaphore_mem>>, %arg11: memref<!tpu.dma_semaphore, #tpu.memory_space<semaphore_mem>>) attributes {dimension_semantics = [#tpu.dimension_semantics<core_parallel>, #tpu.dimension_semantics<subcore_parallel>], iteration_bounds = array<i64: 2, 16>, scalar_prefetch = 0 : i64, scratch_operands = 7 : i64, tpu.core_type = #tpu.core_type<sc_vector_subcore>, window_params = [{transform_indices = #map}, {transform_indices = #map}, {transform_indices = #map}]} {
    %mul3A = arith.constant 2 : i32
    %mul3A_0 = arith.muli %arg1, %mul3A : i32
    %add3A = arith.addi %mul3A_0, %arg0 : i32
    %mul3A_1 = arith.constant 6400 : i32
    %mul3A_2 = arith.muli %add3A, %mul3A_1 : i32
    "tpu.region"() ({
      %run_scoped3A = tpu.sem_alloc : memref<!tpu.dma_semaphore, #tpu.memory_space<semaphore_mem>>
      %dma_start3A_22 = arith.constant 0 : i32
      %dma_start3A_23 = tpu.memref_slice %arg2[%add3A, %dma_start3A_22] : memref<32x6400xi32, #tpu.memory_space<hbm>> -> memref<1x6400xi32, #tpu.memory_space<hbm>>
      %dma_start3A_24 = tpu.memref_squeeze %dma_start3A_23 : memref<1x6400xi32, #tpu.memory_space<hbm>> -> memref<6400xi32, #tpu.memory_space<hbm>>
      %dma_start3A_25 = arith.constant 0 : i32
      %dma_start3A_26 = tpu.memref_slice %arg2[%add3A, %dma_start3A_25] : memref<32x6400xi32, #tpu.memory_space<hbm>> -> memref<1x6400xi32, #tpu.memory_space<hbm>>
      %dma_start3A_27 = tpu.memref_squeeze %dma_start3A_26 : memref<1x6400xi32, #tpu.memory_space<hbm>> -> memref<6400xi32, #tpu.memory_space<hbm>>
      tpu.enqueue_dma source(%dma_start3A_27 : memref<6400xi32, #tpu.memory_space<hbm>>) target(%arg5 : memref<6400xi32, #tpu.memory_space<vmem>>) target_semaphore(%run_scoped3A : memref<!tpu.dma_semaphore, #tpu.memory_space<semaphore_mem>>)
      %dma_wait3A_28 = arith.constant 0 : i32
      %dma_wait3A_29 = tpu.memref_slice %arg2[%add3A, %dma_wait3A_28] : memref<32x6400xi32, #tpu.memory_space<hbm>> -> memref<1x6400xi32, #tpu.memory_space<hbm>>
      %dma_wait3A_30 = tpu.memref_squeeze %dma_wait3A_29 : memref<1x6400xi32, #tpu.memory_space<hbm>> -> memref<6400xi32, #tpu.memory_space<hbm>>
      %dma_wait3A_31 = arith.constant 0 : i32
      %dma_wait3A_32 = tpu.memref_slice %arg2[%add3A, %dma_wait3A_31] : memref<32x6400xi32, #tpu.memory_space<hbm>> -> memref<1x6400xi32, #tpu.memory_space<hbm>>
      %dma_wait3A_33 = tpu.memref_squeeze %dma_wait3A_32 : memref<1x6400xi32, #tpu.memory_space<hbm>> -> memref<6400xi32, #tpu.memory_space<hbm>>
      tpu.wait_dma2 semaphore(%run_scoped3A : memref<!tpu.dma_semaphore, #tpu.memory_space<semaphore_mem>>) src(%dma_wait3A_33 : memref<6400xi32, #tpu.memory_space<hbm>>) dst(%arg5 : memref<6400xi32, #tpu.memory_space<vmem>>)
      tpu.yield
    }) : () -> ()
    %dma_start3A = arith.constant 0 : i32
    %dma_start3A_3 = tpu.memref_slice %arg5[%dma_start3A] : memref<6400xi32, #tpu.memory_space<vmem>> -> memref<64xi32, #tpu.memory_space<vmem>>
    %dma_start3A_4 = arith.constant 0 : i32
    %dma_start3A_5 = arith.constant 0 : i32
    %dma_start3A_6 = tpu.memref_slice %arg3[%dma_start3A_4, %dma_start3A_5] : memref<151936x896xf32, #tpu.memory_space<hbm>> -> memref<151936x896xf32, #tpu.memory_space<hbm>>
    tpu.enqueue_indirect_dma source(%dma_start3A_6 : memref<151936x896xf32, #tpu.memory_space<hbm>>) target(%arg6 : memref<64x896xf32, #tpu.memory_space<vmem>>) offsets(%dma_start3A_3 : memref<64xi32, #tpu.memory_space<vmem>>) semaphore(%arg8 : memref<!tpu.dma_semaphore, #tpu.memory_space<semaphore_mem>>)
    %scan3A = arith.constant 0 : i32
    %scan3A_7 = arith.constant 50 : i32
    %scan3A_8 = arith.addi %scan3A, %scan3A_7 : i32
    %scan3A_9 = arith.constant 1 : i32
    scf.for %scan3A_22 = %scan3A to %scan3A_8 step %scan3A_9  : i32 {
      %mul3A_23 = arith.constant 2 : i32
      %mul3A_24 = arith.muli %scan3A_22, %mul3A_23 : i32
      %add3A_25 = arith.constant 0 : i32
      %add3A_26 = arith.addi %add3A_25, %mul3A_24 : i32
      %add3A_27 = arith.constant 0 : i32
      %add3A_28 = arith.addi %add3A_26, %add3A_27 : i32
      %add3A_29 = arith.constant 1 : i32
      %add3A_30 = arith.addi %add3A_28, %add3A_29 : i32
      %lt3A = arith.constant 100 : i32
      %lt3A_31 = arith.cmpi slt, %add3A_30, %lt3A : i32
      %convert_element_type3A = arith.extui %lt3A_31 : i1 to i32
      %cond3A = arith.constant 0 : i32
      %cond3A_32 = arith.cmpi ne, %convert_element_type3A, %cond3A : i32
      scf.if %cond3A_32 {
        %ge3A = arith.constant 1 : i32
        %ge3A_68 = arith.cmpi sge, %add3A_28, %ge3A : i32
        %convert_element_type3A_69 = arith.extui %ge3A_68 : i1 to i32
        %cond3A_70 = arith.constant 0 : i32
        %cond3A_71 = arith.cmpi ne, %convert_element_type3A_69, %cond3A_70 : i32
        scf.if %cond3A_71 {
          %mul3A_80 = arith.constant 64 : i32
          %mul3A_81 = arith.muli %add3A_28, %mul3A_80 : i32
          %add3A_82 = arith.addi %mul3A_2, %mul3A_81 : i32
          %dma_wait3A_83 = arith.constant 0 : i32
          %dma_wait3A_84 = tpu.memref_slice %arg4[%add3A_82, %dma_wait3A_83] : memref<204800x896xf32, #tpu.memory_space<hbm>> -> memref<64x896xf32, #tpu.memory_space<hbm>>
          %dma_wait3A_85 = arith.constant 0 : i32
          %dma_wait3A_86 = tpu.memref_slice %arg4[%add3A_82, %dma_wait3A_85] : memref<204800x896xf32, #tpu.memory_space<hbm>> -> memref<64x896xf32, #tpu.memory_space<hbm>>
          tpu.wait_dma2 semaphore(%arg11 : memref<!tpu.dma_semaphore, #tpu.memory_space<semaphore_mem>>) src(%arg7 : memref<64x896xf32, #tpu.memory_space<vmem>>) dst(%dma_wait3A_86 : memref<64x896xf32, #tpu.memory_space<hbm>>)
        } else {
        }
        %add3A_72 = arith.constant 1 : i32
        %add3A_73 = arith.addi %add3A_28, %add3A_72 : i32
        %mul3A_74 = arith.constant 64 : i32
        %mul3A_75 = arith.muli %add3A_73, %mul3A_74 : i32
        %dma_start3A_76 = tpu.memref_slice %arg5[%mul3A_75] : memref<6400xi32, #tpu.memory_space<vmem>> -> memref<64xi32, #tpu.memory_space<vmem>>
        %dma_start3A_77 = arith.constant 0 : i32
        %dma_start3A_78 = arith.constant 0 : i32
        %dma_start3A_79 = tpu.memref_slice %arg3[%dma_start3A_77, %dma_start3A_78] : memref<151936x896xf32, #tpu.memory_space<hbm>> -> memref<151936x896xf32, #tpu.memory_space<hbm>>
        tpu.enqueue_indirect_dma source(%dma_start3A_79 : memref<151936x896xf32, #tpu.memory_space<hbm>>) target(%arg7 : memref<64x896xf32, #tpu.memory_space<vmem>>) offsets(%dma_start3A_76 : memref<64xi32, #tpu.memory_space<vmem>>) semaphore(%arg9 : memref<!tpu.dma_semaphore, #tpu.memory_space<semaphore_mem>>)
      } else {
      }
      %mul3A_33 = arith.constant 64 : i32
      %mul3A_34 = arith.muli %add3A_28, %mul3A_33 : i32
      %dma_wait3A_35 = tpu.memref_slice %arg5[%mul3A_34] : memref<6400xi32, #tpu.memory_space<vmem>> -> memref<64xi32, #tpu.memory_space<vmem>>
      %dma_wait3A_36 = arith.constant 0 : i32
      %dma_wait3A_37 = arith.constant 0 : i32
      %dma_wait3A_38 = tpu.memref_slice %arg3[%dma_wait3A_36, %dma_wait3A_37] : memref<151936x896xf32, #tpu.memory_space<hbm>> -> memref<151936x896xf32, #tpu.memory_space<hbm>>
      tpu.wait_indirect_dma semaphore(%arg8 : memref<!tpu.dma_semaphore, #tpu.memory_space<semaphore_mem>>) src(%dma_wait3A_38 : memref<151936x896xf32, #tpu.memory_space<hbm>>) dst(%arg6 : memref<64x896xf32, #tpu.memory_space<vmem>>)
      %mul3A_39 = arith.constant 64 : i32
      %mul3A_40 = arith.muli %add3A_28, %mul3A_39 : i32
      %add3A_41 = arith.addi %mul3A_2, %mul3A_40 : i32
      %dma_start3A_42 = arith.constant 0 : i32
      %dma_start3A_43 = tpu.memref_slice %arg4[%add3A_41, %dma_start3A_42] : memref<204800x896xf32, #tpu.memory_space<hbm>> -> memref<64x896xf32, #tpu.memory_space<hbm>>
      %dma_start3A_44 = arith.constant 0 : i32
      %dma_start3A_45 = tpu.memref_slice %arg4[%add3A_41, %dma_start3A_44] : memref<204800x896xf32, #tpu.memory_space<hbm>> -> memref<64x896xf32, #tpu.memory_space<hbm>>
      tpu.enqueue_dma source(%arg6 : memref<64x896xf32, #tpu.memory_space<vmem>>) target(%dma_start3A_45 : memref<64x896xf32, #tpu.memory_space<hbm>>) target_semaphore(%arg10 : memref<!tpu.dma_semaphore, #tpu.memory_space<semaphore_mem>>)
      %add3A_46 = arith.constant 1 : i32
      %add3A_47 = arith.addi %add3A_26, %add3A_46 : i32
      %add3A_48 = arith.constant 1 : i32
      %add3A_49 = arith.addi %add3A_47, %add3A_48 : i32
      %lt3A_50 = arith.constant 100 : i32
      %lt3A_51 = arith.cmpi slt, %add3A_49, %lt3A_50 : i32
      %convert_element_type3A_52 = arith.extui %lt3A_51 : i1 to i32
      %cond3A_53 = arith.constant 0 : i32
      %cond3A_54 = arith.cmpi ne, %convert_element_type3A_52, %cond3A_53 : i32
      scf.if %cond3A_54 {
        %ge3A = arith.constant 1 : i32
        %ge3A_68 = arith.cmpi sge, %add3A_47, %ge3A : i32
        %convert_element_type3A_69 = arith.extui %ge3A_68 : i1 to i32
        %cond3A_70 = arith.constant 0 : i32
        %cond3A_71 = arith.cmpi ne, %convert_element_type3A_69, %cond3A_70 : i32
        scf.if %cond3A_71 {
          %mul3A_80 = arith.constant 64 : i32
          %mul3A_81 = arith.muli %add3A_47, %mul3A_80 : i32
          %add3A_82 = arith.addi %mul3A_2, %mul3A_81 : i32
          %dma_wait3A_83 = arith.constant 0 : i32
          %dma_wait3A_84 = tpu.memref_slice %arg4[%add3A_82, %dma_wait3A_83] : memref<204800x896xf32, #tpu.memory_space<hbm>> -> memref<64x896xf32, #tpu.memory_space<hbm>>
          %dma_wait3A_85 = arith.constant 0 : i32
          %dma_wait3A_86 = tpu.memref_slice %arg4[%add3A_82, %dma_wait3A_85] : memref<204800x896xf32, #tpu.memory_space<hbm>> -> memref<64x896xf32, #tpu.memory_space<hbm>>
          tpu.wait_dma2 semaphore(%arg10 : memref<!tpu.dma_semaphore, #tpu.memory_space<semaphore_mem>>) src(%arg6 : memref<64x896xf32, #tpu.memory_space<vmem>>) dst(%dma_wait3A_86 : memref<64x896xf32, #tpu.memory_space<hbm>>)
        } else {
        }
        %add3A_72 = arith.constant 1 : i32
        %add3A_73 = arith.addi %add3A_47, %add3A_72 : i32
        %mul3A_74 = arith.constant 64 : i32
        %mul3A_75 = arith.muli %add3A_73, %mul3A_74 : i32
        %dma_start3A_76 = tpu.memref_slice %arg5[%mul3A_75] : memref<6400xi32, #tpu.memory_space<vmem>> -> memref<64xi32, #tpu.memory_space<vmem>>
        %dma_start3A_77 = arith.constant 0 : i32
        %dma_start3A_78 = arith.constant 0 : i32
        %dma_start3A_79 = tpu.memref_slice %arg3[%dma_start3A_77, %dma_start3A_78] : memref<151936x896xf32, #tpu.memory_space<hbm>> -> memref<151936x896xf32, #tpu.memory_space<hbm>>
        tpu.enqueue_indirect_dma source(%dma_start3A_79 : memref<151936x896xf32, #tpu.memory_space<hbm>>) target(%arg6 : memref<64x896xf32, #tpu.memory_space<vmem>>) offsets(%dma_start3A_76 : memref<64xi32, #tpu.memory_space<vmem>>) semaphore(%arg8 : memref<!tpu.dma_semaphore, #tpu.memory_space<semaphore_mem>>)
      } else {
      }
      %mul3A_55 = arith.constant 64 : i32
      %mul3A_56 = arith.muli %add3A_47, %mul3A_55 : i32
      %dma_wait3A_57 = tpu.memref_slice %arg5[%mul3A_56] : memref<6400xi32, #tpu.memory_space<vmem>> -> memref<64xi32, #tpu.memory_space<vmem>>
      %dma_wait3A_58 = arith.constant 0 : i32
      %dma_wait3A_59 = arith.constant 0 : i32
      %dma_wait3A_60 = tpu.memref_slice %arg3[%dma_wait3A_58, %dma_wait3A_59] : memref<151936x896xf32, #tpu.memory_space<hbm>> -> memref<151936x896xf32, #tpu.memory_space<hbm>>
      tpu.wait_indirect_dma semaphore(%arg9 : memref<!tpu.dma_semaphore, #tpu.memory_space<semaphore_mem>>) src(%dma_wait3A_60 : memref<151936x896xf32, #tpu.memory_space<hbm>>) dst(%arg7 : memref<64x896xf32, #tpu.memory_space<vmem>>)
      %mul3A_61 = arith.constant 64 : i32
      %mul3A_62 = arith.muli %add3A_47, %mul3A_61 : i32
      %add3A_63 = arith.addi %mul3A_2, %mul3A_62 : i32
      %dma_start3A_64 = arith.constant 0 : i32
      %dma_start3A_65 = tpu.memref_slice %arg4[%add3A_63, %dma_start3A_64] : memref<204800x896xf32, #tpu.memory_space<hbm>> -> memref<64x896xf32, #tpu.memory_space<hbm>>
      %dma_start3A_66 = arith.constant 0 : i32
      %dma_start3A_67 = tpu.memref_slice %arg4[%add3A_63, %dma_start3A_66] : memref<204800x896xf32, #tpu.memory_space<hbm>> -> memref<64x896xf32, #tpu.memory_space<hbm>>
      tpu.enqueue_dma source(%arg7 : memref<64x896xf32, #tpu.memory_space<vmem>>) target(%dma_start3A_67 : memref<64x896xf32, #tpu.memory_space<hbm>>) target_semaphore(%arg11 : memref<!tpu.dma_semaphore, #tpu.memory_space<semaphore_mem>>)
    }
    %scan3A_10 = arith.constant 50 : i32
    %add3A_11 = arith.constant 0 : i32
    %add3A_12 = arith.addi %mul3A_2, %add3A_11 : i32
    %dma_wait3A = arith.constant 0 : i32
    %dma_wait3A_13 = tpu.memref_slice %arg4[%add3A_12, %dma_wait3A] : memref<204800x896xf32, #tpu.memory_space<hbm>> -> memref<64x896xf32, #tpu.memory_space<hbm>>
    %dma_wait3A_14 = arith.constant 0 : i32
    %dma_wait3A_15 = tpu.memref_slice %arg4[%add3A_12, %dma_wait3A_14] : memref<204800x896xf32, #tpu.memory_space<hbm>> -> memref<64x896xf32, #tpu.memory_space<hbm>>
    tpu.wait_dma2 semaphore(%arg10 : memref<!tpu.dma_semaphore, #tpu.memory_space<semaphore_mem>>) src(%arg6 : memref<64x896xf32, #tpu.memory_space<vmem>>) dst(%dma_wait3A_15 : memref<64x896xf32, #tpu.memory_space<hbm>>)
    %add3A_16 = arith.constant 0 : i32
    %add3A_17 = arith.addi %mul3A_2, %add3A_16 : i32
    %dma_wait3A_18 = arith.constant 0 : i32
    %dma_wait3A_19 = tpu.memref_slice %arg4[%add3A_17, %dma_wait3A_18] : memref<204800x896xf32, #tpu.memory_space<hbm>> -> memref<64x896xf32, #tpu.memory_space<hbm>>
    %dma_wait3A_20 = arith.constant 0 : i32
    %dma_wait3A_21 = tpu.memref_slice %arg4[%add3A_17, %dma_wait3A_20] : memref<204800x896xf32, #tpu.memory_space<hbm>> -> memref<64x896xf32, #tpu.memory_space<hbm>>
    tpu.wait_dma2 semaphore(%arg11 : memref<!tpu.dma_semaphore, #tpu.memory_space<semaphore_mem>>) src(%arg7 : memref<64x896xf32, #tpu.memory_space<vmem>>) dst(%dma_wait3A_21 : memref<64x896xf32, #tpu.memory_space<hbm>>)
    return
  }
}

module attributes {stable_mosaic.version = 14 : i64} {
  func.func @_mask_body(%arg0: memref<1024x1xi32, #tpu.memory_space<vmem>>, %arg1: memref<1024x200xi32, #tpu.memory_space<vmem>>) attributes {dimension_semantics = [], scalar_prefetch = 0 : i64, scratch_operands = 0 : i64, tpu.core_type = #tpu.core_type<tc>} {
    %iota3A = tpu.iota {dimensions = array<i32: 1>} : vector<1024x200xi32>
    %get3A = arith.constant 0 : index
    %get3A_0 = arith.constant 0 : index
    %get3A_1 = vector.load %arg0[%get3A, %get3A_0] : memref<1024x1xi32, #tpu.memory_space<vmem>>, vector<1024x1xi32>
    %lt3A = vector.broadcast %get3A_1 : vector<1024x1xi32> to vector<1024x200xi32>
    %lt3A_2 = arith.cmpi slt, %iota3A, %lt3A : vector<1024x200xi32>
    %convert_element_type3A = arith.extui %lt3A_2 : vector<1024x200xi1> to vector<1024x200xi32>
    %swap3A = arith.constant 0 : index
    %swap3A_3 = arith.constant 0 : index
    %swap3A_4 = vector.load %arg1[%swap3A, %swap3A_3] : memref<1024x200xi32, #tpu.memory_space<vmem>>, vector<1024x200xi32>
    tpu.vector_store %arg1[%swap3A, %swap3A_3], %convert_element_type3A {strides = array<i32>} : memref<1024x200xi32, #tpu.memory_space<vmem>>, vector<1024x200xi32>,
    return
  }
}

</mosaic_0001>

<sc_bundles>
// kernel: kernel.4.cloned.1.call-start
scs
__scs_entry_jumppad:
0x0: {  	(pc) =	sbr.rel $0x88, $3  }
0x1: {  	(tag) =	ssettag $0x0;
	lr =	simm.s32 $0x1  }
0x2: {  	[smem:$0x3F9E] =	sst lr;
	_ =	strace $0xD0000000  }
0x3: {  	_ = 	snop  }
0x4: {  	_ = 	snop  }
0x5: {  	_ = 	snop  }
0x6: {  	_ = 	snop  }
0x7: {  	_ = 	snop  }
__scs_overlays_trampoline_lowered:
0x8: {  	[smem:$0x3FAD] =	sst s0  }
0x9: {  	[smem:$0x3FAE] =	sst s1  }
0xa: {  	[smem:$0x3FAF] =	sst s2  }
0xb: {  	[smem:$0x3FB0] =	sst s3  }
0xc: {  	[smem:$0x3FB1] =	sst s4  }
0xd: {  	[smem:$0x3FB2] =	sst s5  }
0xe: {  	[smem:$0x3FB3] =	sst s6  }
0xf: {  	[smem:$0x3FB4] =	sst s7  }
0x10: {  	[smem:$0x3FB5] =	sst s8  }
0x11: {  	[smem:$0x3FB6] =	sst s9;
	s0 =	simm.s32 @!p0 $0x0  }
0x12: {  	s1 =	sld [smem:$0x3F9C];
	s0 =	simm.s32 @p0 $0x1  }
0x13: {  	[smem:$0x3FB7] =	sst s0;
	s0 =	simm.s32 @!p1 $0x0  }
0x14: {  	s2 =	sld [smem:$0x3F9B];
	s0 =	simm.s32 @p1 $0x1  }
0x15: {  	[smem:$0x3FB8] =	sst s0;
	s0 =	simm.s32 @!p2 $0x0  }
0x16: {  	s3 =	sld [smem:$0x3FDB];
	s0 =	simm.s32 @p2 $0x1  }
0x17: {  	s4 =	simm.s32 $0x1BF5;
	[smem:$0x3FBA] =	sst s0  }
0x18: {  	s0 =	sld [smem:$0x3F9D];
	_ =	swait.ge [sflag:s4], $0x0  }
0x19: {  	s7 =	sld [smem:$0x3F9E]  }
0x1a: {  	s8 =	sadd.s32 $0xFFFFE003, lr  }
0x1b: {  	s9 =	sadd.s32 $0xFFFFFEF7, lr;
	s5 =	simm.s32 $0xFFFFFFFF;
	p2 =	slt.u32 s8, $0xFFFFF086  }
0x1c: {  	p1 =	slt.u32 s9, $0xF7A;
	s5 =	simm.s32 @!p2 $0x0  }
0x1d: {  	s5 =	simm.s32 @p1 $0x1;
	p0 =	seq.s32 s7, s2  }
0x1e: {  	s7 =	smul.u32 @!p0 $0xF7A, s2;
	p2 =	seq.s32 @!p0 s5, $0x0  }
0x1f: {  	s9 =	smul.u32 $0xF7A, s1;
	s8 =	simm.s32 @!p0 $0x1BF5;
	p2 =	por !p2, p0  }
0x20: {  	[sflag:s8] =	ssyncset.s32 @!p0 $0xFFFFF086;
	s6 =	sadd.s32 @!p0 s3, s7;
	s7 =	simm.s32 @!p0 $0x108  }
0x21: {  	s3 =	sadd.s32 s3, s9;
	s6 =	sadd.s32 @!p0 $0x88, s6;
	s7 =	simm.s32 @p2 $0x1082  }
0x22: {  	[simem:s7], [sflag:s8] =	dma.local @!p0 [hbm:s6], $0xF7A  }
0x23: {  	s9 =	sor.u32 $0xD0000000, s2;
	s6 =	simm.s32 $0x108;
	_ =	swait.ge @!p0 [sflag:s8], $0x0  }
0x24: {  	s3 =	sadd.s32 $0x88, s3;
	s6 =	simm.s32 @!p1 $0x1082;
	[sflag:s4] =	ssyncset.s32 $0xFFFFF086  }
0x25: {  	[simem:s6], [sflag:s4] =	dma.local [hbm:s3], $0xF7A  }
0x26: {  	[smem:$0x3F9E] =	sst s1;
	(tag) =	ssettag s2;
	_ =	strace s9  }
0x27: {  	s1 =	sld [smem:$0x3FAE]  }
0x28: {  	s2 =	sld [smem:$0x3FAF]  }
0x29: {  	s4 =	sld [smem:$0x3FB1]  }
0x2a: {  	p0 =	seq.s32 s5, $0x0;
	s5 =	sld [smem:$0x3FB2]  }
0x2b: {  	s6 =	sld [smem:$0x3FB3]  }
0x2c: {  	s7 =	sld [smem:$0x3FB4]  }
0x2d: {  	s3 =	simm.s32 $0x108;
	s8 =	sld [smem:$0x3FB5]  }
0x2e: {  	s3 =	simm.s32 @!p0 $0x1082;
	s9 =	sld [smem:$0x3FB6]  }
0x2f: {  	lr =	sadd.s32 s0, s3;
	s0 =	sld [smem:$0x3FAD]  }
0x30: {  	s3 =	sld [smem:$0x3FB0]  }
0x31: {  	[smem:$0x3FB9] =	sst s10  }
0x32: {  	s10 =	sld [smem:$0x3FB7];
	_ =	sdelay $0x3  }
0x33: {  	p0 =	seq.s32 s10, $0x1;
	s10 =	sld [smem:$0x3FB9];
	_ =	sdelay $0x3  }
0x34: {  	[smem:$0x3FB9] =	sst s10  }
0x35: {  	s10 =	sld [smem:$0x3FB8];
	_ =	sdelay $0x3  }
0x36: {  	p1 =	seq.s32 s10, $0x1;
	s10 =	sld [smem:$0x3FB9];
	_ =	sdelay $0x3  }
0x37: {  	[smem:$0x3FB9] =	sst s10  }
0x38: {  	s10 =	sld [smem:$0x3FBA]  }
0x39: {  	_ = 	snop;
	(pc) =	sbr.ind lr, $3  }
0x3a: {  	_ = 	snop  }
0x3b: {  	_ = 	snop  }
0x3c: {  	p2 =	seq.s32 s10, $0x1;
	s10 =	sld [smem:$0x3FB9]  }
0x3d: {  	_ =	shalt  }
0x3e: {  	_ =	shalt  }
0x3f: {  	_ =	shalt  }
0x40: {  	_ =	shalt  }
0x41: {  	_ =	shalt  }
0x42: {  	_ =	shalt  }
0x43: {  	_ =	shalt  }
0x44: {  	_ =	shalt  }
0x45: {  	_ =	shalt  }
0x46: {  	_ =	shalt  }
0x47: {  	_ =	shalt  }
0x48: {  	_ =	shalt  }
0x49: {  	_ =	shalt  }
0x4a: {  	_ =	shalt  }
0x4b: {  	_ =	shalt  }
0x4c: {  	_ =	shalt  }
0x4d: {  	_ =	shalt  }
0x4e: {  	_ =	shalt  }
0x4f: {  	_ =	shalt  }
0x50: {  	_ =	shalt  }
0x51: {  	_ =	shalt  }
0x52: {  	_ =	shalt  }
0x53: {  	_ =	shalt  }
0x54: {  	_ =	shalt  }
0x55: {  	_ =	shalt  }
0x56: {  	_ =	shalt  }
0x57: {  	_ =	shalt  }
0x58: {  	_ =	shalt  }
0x59: {  	_ =	shalt  }
0x5a: {  	_ =	shalt  }
0x5b: {  	_ =	shalt  }
0x5c: {  	_ =	shalt  }
0x5d: {  	_ =	shalt  }
0x5e: {  	_ =	shalt  }
0x5f: {  	_ =	shalt  }
0x60: {  	_ =	shalt  }
0x61: {  	_ =	shalt  }
0x62: {  	_ =	shalt  }
0x63: {  	_ =	shalt  }
0x64: {  	_ =	shalt  }
0x65: {  	_ =	shalt  }
0x66: {  	_ =	shalt  }
0x67: {  	_ =	shalt  }
0x68: {  	_ =	shalt  }
0x69: {  	_ =	shalt  }
0x6a: {  	_ =	shalt  }
0x6b: {  	_ =	shalt  }
0x6c: {  	_ =	shalt  }
0x6d: {  	_ =	shalt  }
0x6e: {  	_ =	shalt  }
0x6f: {  	_ =	shalt  }
0x70: {  	_ =	shalt  }
0x71: {  	_ =	shalt  }
0x72: {  	_ =	shalt  }
0x73: {  	_ =	shalt  }
0x74: {  	_ =	shalt  }
0x75: {  	_ =	shalt  }
0x76: {  	_ =	shalt  }
0x77: {  	_ =	shalt  }
0x78: {  	_ =	shalt  }
0x79: {  	_ =	shalt  }
0x7a: {  	_ =	shalt  }
0x7b: {  	_ =	shalt  }
0x7c: {  	_ =	shalt  }
0x7d: {  	_ =	shalt  }
0x7e: {  	_ =	shalt  }
0x7f: {  	_ =	shalt  }
0x80: {  	_ =	shalt  }
0x81: {  	_ =	shalt  }
0x82: {  	_ =	shalt  }
0x83: {  	_ =	shalt  }
0x84: {  	_ =	shalt  }
0x85: {  	_ =	shalt  }
0x86: {  	_ =	shalt  }
0x87: {  	_ =	shalt  }
.Lfunc_end0:
.L_simem_size_0:
called_computation_lowered:
.L_overlay_start_0:
0x88: {  	s2 =	sld [smem:$0x3FD9]  }
0x89: {  	s3 =	sld [smem:$0x3FFE];
	_ =	sdelay $0x1  }
0x8a: {  	s1 =	srdreg.scid  }
0x8b: {  	s0 =	sand.u32 $0x1, s1  }
0x8c: {  	s14 =	sshll.u32 s0, $0xA;
	s2 =	sadd.s32 s3, s2  }
0x8d: {  	s2 =	sadd.s32 s2, s14  }
0x8e: {  	[smem:$0x3FC5] =	sst s2  }
0x8f: {  	_ = 	snop  }
0x90: {  	s2 =	sld [smem:$0x3FD0];
	_ =	sdelay $0x2  }
0x91: {  	s4 =	simm.s32 $0xA;
	s5 =	simm.s32 $0x10;
	s15 =	sld [smem:$0x3FC7]  }
0x92: {  	[smem:s5], [sflag:s4] =	dma.local [hbm:s2], $0x1  }
0x93: {  	_ =	swait.eq [sflag:s4], $0x1  }
0x94: {  	[sflag:s4] =	ssyncset.done $0x0  }
0x95: {  	[sflag:s4] =	ssyncadd.s32 $0xFFFFFFFF  }
0x96: {  	s16 =	sld [smem:$0x10];
	(tm) =	ssettm $0x1  }
0x97: {  	s17 =	sld [smem:$0x3FFB];
	_ =	sdelay $0x3  }
0x98: {  	_ =	strace s17  }
0x99: {  	s4 =	sld [smem:$0x3FFC];
	_ =	sdelay $0x3  }
0x9a: {  	_ =	strace s4  }
0x9b: {  	s4 =	sld [smem:$0x3FFD];
	_ =	sdelay $0x3  }
0x9c: {  	_ =	strace s4  }
0x9d: {  	_ =	strace $0x8FFFFFFF  }
0x9e: {  	s18 =	sld [smem:$0x3FDB];
	_ =	sdelay $0x1  }
0x9f: {  	s19 =	simm.s32 $_scs_section_size  }
0xa0: {  	s6 =	simm.s32 $_size__tile_overlayer_lowered;
	s7 =	simm.s32 $_tile_overlayer_lowered  }
0xa1: {  	s22 =	simm.s32 $0x1BFF;
	s21 =	sshll.u32 s7, $0x1;
	s4 =	sadd.s32 s19, s18  }
0xa2: {  	s8 =	simm.s32 $0x0;
	s20 =	sshll.u32 s6, $0x1;
	s6 =	sadd.s32 s21, s4  }
0xa3: {  	[timem:s8], [sflag:s22] =	dma.local [hbm:s6], s20  }
0xa4: {  	_ =	swait.ge [sflag:s22], s20  }
0xa5: {  	s5 =	ssub.s32 $0x0, s20;
	[sflag:s22] =	ssyncset.done $0x0  }
0xa6: {  	[sflag:s22] =	ssyncadd.s32 s5;
	_ =	sdelay $0x1  }
0xa7: {  	s23 =	simm.s32 $0x1B8B  }
0xa8: {  	_ =	swait.ge [sflag:s23], $0x1  }
0xa9: {  	[sflag:s23] =	ssyncset.done $0x0  }
0xaa: {  	s25 =	simm.s32 $0x1B8E;
	s24 =	sld [smem:$0x3FFE];
	[sflag:s23] =	ssyncadd.s32 $0xFFFFFFFF  }
0xab: {  	s26 =	simm.s32 $execute0_lowered;
	[smem:$0x3FD2] =	sst s25  }
0xac: {  	s6 =	sshll.u32 s26, $0x1;
	_ =	strace $0x80000046;
	[dreg:$0x1] =	wrdreg $0xFFFFFFFF  }
0xad: {  	s28 =	simm.s32 $_size_execute0_lowered;
	s4 =	sadd.s32 s4, s6;
	[dreg:$0x0] =	wrdreg $0x0  }
0xae: {  	s6 =	sshll.u32 s28, $0x1;
	[dreg:$0x2] =	wrdreg s4  }
0xaf: {  	[dreg:$0x3] =	wrdreg s6  }
0xb0: {  	[dreg:$0x4] =	wrdreg $0xC0  }
0xb1: {  	_ =	task [dreg:s8], $0x5FFFF  }
0xb2: {  	[dreg:$0x1] =	wrdreg $0xFFFFFFFF  }
0xb3: {  	[dreg:$0x0] =	wrdreg $0x60  }
0xb4: {  	[dreg:$0x2] =	wrdreg s24  }
0xb5: {  	[dreg:$0x3] =	wrdreg s15  }
0xb6: {  	[dreg:$0x4] =	wrdreg s16  }
0xb7: {  	[dreg:$0x5] =	wrdreg $0x9  }
0xb8: {  	_ =	task.clear_ibuf [dreg:s8], $0x6FFFF;
	_ =	strace $0x90000046  }
0xb9: {  	s29 =	simm.s32 $0x9;
	_ =	strace $0x80000048  }
0xba: {  	_ =	swait.ge [sflag:s29], $0x1  }
0xbb: {  	[sflag:s29] =	ssyncadd.s32 $0xFFFFFFFF  }
0xbc: {  	_ =	strace $0x90000048  }
0xbd: {  	_ =	sfence  }
0xbe: {  	s30 =	sld [smem:$0x0];
	_ =	sdelay $0x2  }
0xbf: {  	s31 =	sshll.u32 s1, $0xD;
	s1 =	sshrl.u32 s1, $0x2  }
0xc0: {  	s3 =	sand.u32 $0x4000, s31;
	s1 =	sadd.s32 s1, s30  }
0xc1: {  	s0 =	sor.u32 s3, s0;
	s1 =	sshll.u32 s1, $0x11  }
0xc2: {  	s0 =	sor.u32 s1, s0  }
0xc3: {  	s0 =	sadd.s32 $0x8F2B, s0  }
0xc4: {  	[sflag:s0] =	ssyncadd.remote.s32 $0x1  }
0xc5: {  	_ =	sfence.sel $0xFFFF  }
0xc6: {  	[dreg:$0x0] =	wrdreg $0xFFFFFFFF;
	(pc) =	sbr.abs _section_cstart, $3  }
0xc7: {  	[dreg:$0x1] =	wrdreg $0xFFFFFFFF  }
0xc8: {  	_ =	task.clear_ibuf [dreg:s8], $0x2FFFF;
	_ =	strace $0x9FFFFFFF  }
0xc9: {  	(tm) =	ssettm $0x7FFFFFFF  }
tec
execute0_lowered:
.L_overlay_start_1:
0x0: {  	(tag) =	ssettag $0x1  }
0x1: {  	s6 =	stileid.u32;
	s0 =	rddreg [dreg:$0x0]  }
0x2: {  	s2 =	srdreg.scid;
	s1 =	rddreg [dreg:$0x1]  }
0x3: {  	s8 =	rddreg [dreg:$0x2];
	s14 =	simm.s32 $0x1900;
	s16 =	simm.s32 $0x16900  }
0x4: {  	s17 =	simm.s32 $0x17100;
	s18 =	simm.s32 $0x17900;
	s19 =	simm.s32 $0x18100  }
0x5: {  	s20 =	simm.s32 $0x18500;
	s21 =	simm.s32 $0x18D00;
	s28 =	simm.s32 $0x1B100  }
0x6: {  	s29 =	simm.s32 $0x1B900;
	s30 =	simm.s32 $0x1BD00;
	s31 =	simm.s32 $0x1C500  }
0x7: {  	s11 =	simm.s32 $0x1;
	s12 =	simm.s32 $0x2;
	s3 =	sshrl.u32 s6, $0x2  }
0x8: {  	s2 =	sand.u32 $0x1, s2;
	s22 =	sshll.u32 s6, $0x8;
	s6 =	smul.u32 $0x3200, s6  }
0x9: {  	s15 =	simm.s32 $0x0;
	s4 =	smul.u32 $0xC800, s3;
	s5 =	sshll.u32 s2, $0x7  }
0xa: {  	s7 =	smul.u32 $0x1900, s2;
	s3 =	simm.s32 $0x0;
	s2 =	ssub.s32 $0x2, s2  }
0xb: {  	s5 =	sor.u32 s5, s22;
	[smem:$0x7FF] =	sst s3;
	s25 =	sshrl.u32 s2, $0x1  }
0xc: {  	s22 =	simm.s32 $0x19500;
	s5 =	sand.u32 $0x380, s5;
	s23 =	sadd.s32 s7, s6  }
0xd: {  	_ =	strace $0x80000047;
	s2 =	ssub.s32 s2, s25;
	s7 =	sadd.s32 $0x300, s1  }
0xe: {  	s25 =	simm.s32 $0x1A100;
	s4 =	sor.u32 s4, s5;
	s6 =	sor.u32 $0x40, s23  }
0xf: {  	s5 =	sshrl.u32 s23, $0x3;
	s2 =	smax.u32 s2, $0x1;
	s23 =	simm.s32 $0xF900  }
0x10: {  	s4 =	sshrl.u32 s4, $0x3;
	s24 =	sshrl.u32 s6, $0x3;
	s26 =	smul.u32 $0x380, s5  }
.Ltmp0:
0x11: {  	s5 =	sadd.s32 $0x100, s1;
	s6 =	sadd.s32 $0x200, s1;
	(pc) =	sbr.rel .LBB2_1-.Ltmp0, $4  }
0x12: {  	[dreg:$0x5] =	wrdreg s2;
	s2 =	simm.s32 $0x1CD00;
	s0 =	sadd.s32 s4, s0  }
0x13: {  	v2 =	vlaneseq.u32;
	s4 =	smul.u32 $0x380, s24;
	s24 =	simm.s32 $0x19D00;
	s0 =	sadd.s32 $0x600, s0  }
0x14: {  	vm0 =	vmmov $0xffff;
	vm1 =	vmmov $0xff;
	v1 =	vshrl.u32 v2, $0x3;
	s10 =	sadd.s32 s26, s8;
	s26 =	simm.s32 $0x1A900;
	[dreg:$0x4] =	wrdreg s0  }
0x15: {  	v0 =	vand.u32 $0x7, v2;
	v2 =	vor.u32 $0x8, v2;
	v1 =	vmul.u32 $0x8, v1;
	s9 =	sadd.s32 s4, s8;
	s0 =	simm.s32 $0x1D500;
	s4 =	simm.s32 $0x3  }
.LBB2_5:
0x16: {  	_ =	swait.ge [sflag:s4], $0xE000  }
0x17: {  	[sflag:s4] =	ssyncset.done $0x0  }
0x18: {  	s13 =	simm.s32 $0x4;
	[sflag:s4] =	ssyncadd.s32 $0xFFFF2000  }
0x19: {  	_ =	swait.ge [sflag:s13], $0xE000  }
0x1a: {  	s15 =	rddreg [dreg:$0x6]  }
0x1b: {  	s8 =	rddreg [dreg:$0x5];
	s15 =	sadd.s32 $0x1, s15  }
0x1c: {  	p0 =	sne.s32 s15, s8  }
.Ltmp1:
0x1d: {  	_ = 	snop;
	(pc) =	sbr.rel @!p0 .LBB2_6-.Ltmp1, $3  }
0x1e: {  	_ =	sdelay $0x1  }
0x1f: {  	[sflag:s13] =	ssyncset.done $0x0  }
0x20: {  	[sflag:s13] =	ssyncadd.s32 $0xFFFF2000  }
.LBB2_1:
0x21: {  	[dreg:$0x6] =	wrdreg s15  }
0x22: {  	s8 =	rddreg [dreg:$0x4];
	s13 =	simm.s32 $0x80;
	s15 =	simm.s32 $0x400  }
0x23: {  	[tilespmem:s3], [sflag:$0x5] =	stream.strided.gather [hbm4b:s8+s13], $0x1900, s15, s13, $0x38;
	[tilespmem:$0x1D900] =	vst v63  }
0x24: {  	s13 =	simm.s32 $0x5  }
0x25: {  	_ =	swait.ge [sflag:s13], $0x1900  }
0x26: {  	[sflag:s13] =	ssyncset.done $0x0  }
0x27: {  	[sflag:s13] =	ssyncadd.s32 $0xFFFFE700  }
0x28: {  	v3 =	vld [tilespmem:$0x0];
	_ =	sdelay $0x4  }
0x29: {  	v4 =	vshrl.u32 v3, $0x3  }
0x2a: {  	v4 =	vmul.u32 $0x38, v4  }
0x2b: {  	v3 =	vand.u32 $0x7, v3  }
0x2c: {  	v3 =	vor.u32 v3, v4  }
0x2d: {  	v4 =	vperm.xlane v3, v0;
	_ =	sdelay $0x1  }
0x2e: {  	v4 =	vadd.s32 v1, v4;
	_ =	sdelay $0x4  }
0x2f: {  	[tilespmem:s14], [sflag:$0x1] =	stream.indirect_vreg.gather [hbm4b:s1+s3], $0x80, v4, vm0, $0xb8;
	[tilespmem:$0x1D900] =	vst v63  }
0x30: {  	s15 =	simm.s32 $0x2100;
	v3 =	vperm.xlane v3, v2  }
0x31: {  	[tilespmem:s15], [sflag:$0x1] =	stream.indirect_vreg.gather [hbm4b:s5+s3], $0x80, v4, vm0, $0xb8;
	[tilespmem:$0x1D900] =	vst v63  }
0x32: {  	s13 =	simm.s32 $0x2900;
	v3 =	vadd.s32 v1, v3  }
0x33: {  	[tilespmem:s13], [sflag:$0x1] =	stream.indirect_vreg.gather [hbm4b:s6+s3], $0x80, v4, vm0, $0xb8;
	[tilespmem:$0x1D900] =	vst v63  }
0x34: {  	s15 =	simm.s32 $0x3100  }
0x35: {  	[tilespmem:s15], [sflag:$0x1] =	stream.indirect_vreg.gather [hbm4b:s7+s3], $0x80, v4, vm1, $0xb8;
	[tilespmem:$0x1D900] =	vst v63  }
0x36: {  	s13 =	simm.s32 $0x3500  }
0x37: {  	[tilespmem:s13], [sflag:$0x1] =	stream.indirect_vreg.gather [hbm4b:s1+s3], $0x80, v3, vm0, $0xb8;
	[tilespmem:$0x1D900] =	vst v63  }
0x38: {  	s15 =	simm.s32 $0x3D00  }
0x39: {  	[tilespmem:s15], [sflag:$0x1] =	stream.indirect_vreg.gather [hbm4b:s5+s3], $0x80, v3, vm0, $0xb8;
	[tilespmem:$0x1D900] =	vst v63  }
0x3a: {  	s13 =	simm.s32 $0x4500  }
0x3b: {  	[tilespmem:s13], [sflag:$0x1] =	stream.indirect_vreg.gather [hbm4b:s6+s3], $0x80, v3, vm0, $0xb8;
	[tilespmem:$0x1D900] =	vst v63  }
0x3c: {  	s15 =	simm.s32 $0x4D00  }
0x3d: {  	[tilespmem:s15], [sflag:$0x1] =	stream.indirect_vreg.gather [hbm4b:s7+s3], $0x80, v3, vm1, $0xb8;
	[tilespmem:$0x1D900] =	vst v63  }
0x3e: {  	v3 =	vld [tilespmem:$0x10];
	_ =	sdelay $0x4  }
0x3f: {  	v61 =	vshrl.u32 v3, $0x3  }
0x40: {  	v4 =	vmul.u32 $0x38, v61  }
0x41: {  	v3 =	vand.u32 $0x7, v3  }
0x42: {  	v3 =	vor.u32 v3, v4  }
0x43: {  	v4 =	vperm.xlane v3, v0;
	_ =	sdelay $0x1  }
0x44: {  	v4 =	vadd.s32 v1, v4;
	_ =	sdelay $0x3  }
0x45: {  	s13 =	simm.s32 $0x5100  }
0x46: {  	[tilespmem:s13], [sflag:$0x1] =	stream.indirect_vreg.gather [hbm4b:s1+s3], $0x80, v4, vm0, $0xb8;
	[tilespmem:$0x1D900] =	vst v63  }
0x47: {  	s15 =	simm.s32 $0x5900;
	v3 =	vperm.xlane v3, v2  }
0x48: {  	[tilespmem:s15], [sflag:$0x1] =	stream.indirect_vreg.gather [hbm4b:s5+s3], $0x80, v4, vm0, $0xb8;
	[tilespmem:$0x1D900] =	vst v63  }
0x49: {  	v3 =	vadd.s32 v1, v3;
	s13 =	simm.s32 $0x6100  }
0x4a: {  	[tilespmem:s13], [sflag:$0x1] =	stream.indirect_vreg.gather [hbm4b:s6+s3], $0x80, v4, vm0, $0xb8;
	[tilespmem:$0x1D900] =	vst v63  }
0x4b: {  	s15 =	simm.s32 $0x6900  }
0x4c: {  	[tilespmem:s15], [sflag:$0x1] =	stream.indirect_vreg.gather [hbm4b:s7+s3], $0x80, v4, vm1, $0xb8;
	[tilespmem:$0x1D900] =	vst v63  }
0x4d: {  	s13 =	simm.s32 $0x6D00  }
0x4e: {  	[tilespmem:s13], [sflag:$0x1] =	stream.indirect_vreg.gather [hbm4b:s1+s3], $0x80, v3, vm0, $0xb8;
	[tilespmem:$0x1D900] =	vst v63  }
0x4f: {  	s15 =	simm.s32 $0x7500  }
0x50: {  	[tilespmem:s15], [sflag:$0x1] =	stream.indirect_vreg.gather [hbm4b:s5+s3], $0x80, v3, vm0, $0xb8;
	[tilespmem:$0x1D900] =	vst v63  }
0x51: {  	s13 =	simm.s32 $0x7D00  }
0x52: {  	[tilespmem:s13], [sflag:$0x1] =	stream.indirect_vreg.gather [hbm4b:s6+s3], $0x80, v3, vm0, $0xb8;
	[tilespmem:$0x1D900] =	vst v63  }
0x53: {  	s15 =	simm.s32 $0x8500  }
0x54: {  	[tilespmem:s15], [sflag:$0x1] =	stream.indirect_vreg.gather [hbm4b:s7+s3], $0x80, v3, vm1, $0xb8;
	[tilespmem:$0x1D900] =	vst v63  }
0x55: {  	v3 =	vld [tilespmem:$0x20];
	_ =	sdelay $0x4  }
0x56: {  	v62 =	vshrl.u32 v3, $0x3  }
0x57: {  	v4 =	vmul.u32 $0x38, v62  }
0x58: {  	v3 =	vand.u32 $0x7, v3  }
0x59: {  	v3 =	vor.u32 v3, v4  }
0x5a: {  	v4 =	vperm.xlane v3, v0;
	_ =	sdelay $0x1  }
0x5b: {  	v4 =	vadd.s32 v1, v4;
	_ =	sdelay $0x3  }
0x5c: {  	s13 =	simm.s32 $0x8900  }
0x5d: {  	[tilespmem:s13], [sflag:$0x1] =	stream.indirect_vreg.gather [hbm4b:s1+s3], $0x80, v4, vm0, $0xb8;
	[tilespmem:$0x1D900] =	vst v63  }
0x5e: {  	s15 =	simm.s32 $0x9100;
	v3 =	vperm.xlane v3, v2  }
0x5f: {  	[tilespmem:s15], [sflag:$0x1] =	stream.indirect_vreg.gather [hbm4b:s5+s3], $0x80, v4, vm0, $0xb8;
	[tilespmem:$0x1D900] =	vst v63  }
0x60: {  	v3 =	vadd.s32 v1, v3;
	s13 =	simm.s32 $0x9900  }
0x61: {  	[tilespmem:s13], [sflag:$0x1] =	stream.indirect_vreg.gather [hbm4b:s6+s3], $0x80, v4, vm0, $0xb8;
	[tilespmem:$0x1D900] =	vst v63  }
0x62: {  	s15 =	simm.s32 $0xA100  }
0x63: {  	[tilespmem:s15], [sflag:$0x1] =	stream.indirect_vreg.gather [hbm4b:s7+s3], $0x80, v4, vm1, $0xb8;
	[tilespmem:$0x1D900] =	vst v63  }
0x64: {  	s13 =	simm.s32 $0xA500  }
0x65: {  	[tilespmem:s13], [sflag:$0x1] =	stream.indirect_vreg.gather [hbm4b:s1+s3], $0x80, v3, vm0, $0xb8;
	[tilespmem:$0x1D900] =	vst v63  }
0x66: {  	s15 =	simm.s32 $0xAD00  }
0x67: {  	[tilespmem:s15], [sflag:$0x1] =	stream.indirect_vreg.gather [hbm4b:s5+s3], $0x80, v3, vm0, $0xb8;
	[tilespmem:$0x1D900] =	vst v63  }
0x68: {  	s13 =	simm.s32 $0xB500  }
0x69: {  	[tilespmem:s13], [sflag:$0x1] =	stream.indirect_vreg.gather [hbm4b:s6+s3], $0x80, v3, vm0, $0xb8;
	[tilespmem:$0x1D900] =	vst v63  }
0x6a: {  	s15 =	simm.s32 $0xBD00  }
0x6b: {  	[tilespmem:s15], [sflag:$0x1] =	stream.indirect_vreg.gather [hbm4b:s7+s3], $0x80, v3, vm1, $0xb8;
	[tilespmem:$0x1D900] =	vst v63  }
0x6c: {  	v3 =	vld [tilespmem:$0x30];
	_ =	sdelay $0x4  }
0x6d: {  	v63 =	vshrl.u32 v3, $0x3  }
0x6e: {  	v4 =	vmul.u32 $0x38, v63  }
0x6f: {  	v3 =	vand.u32 $0x7, v3  }
0x70: {  	v3 =	vor.u32 v3, v4  }
0x71: {  	v4 =	vperm.xlane v3, v0;
	_ =	sdelay $0x1  }
0x72: {  	v4 =	vadd.s32 v1, v4;
	_ =	sdelay $0x3  }
0x73: {  	s13 =	simm.s32 $0xC100  }
0x74: {  	[tilespmem:s13], [sflag:$0x1] =	stream.indirect_vreg.gather [hbm4b:s1+s3], $0x80, v4, vm0, $0xb8;
	[tilespmem:$0x1D900] =	vst v63  }
0x75: {  	s15 =	simm.s32 $0xC900;
	v3 =	vperm.xlane v3, v2  }
0x76: {  	[tilespmem:s15], [sflag:$0x1] =	stream.indirect_vreg.gather [hbm4b:s5+s3], $0x80, v4, vm0, $0xb8;
	[tilespmem:$0x1D900] =	vst v63  }
0x77: {  	v3 =	vadd.s32 v1, v3;
	s13 =	simm.s32 $0xD100  }
0x78: {  	[tilespmem:s13], [sflag:$0x1] =	stream.indirect_vreg.gather [hbm4b:s6+s3], $0x80, v4, vm0, $0xb8;
	[tilespmem:$0x1D900] =	vst v63  }
0x79: {  	s15 =	simm.s32 $0xD900  }
0x7a: {  	[tilespmem:s15], [sflag:$0x1] =	stream.indirect_vreg.gather [hbm4b:s7+s3], $0x80, v4, vm1, $0xb8;
	[tilespmem:$0x1D900] =	vst v63  }
0x7b: {  	s13 =	simm.s32 $0xDD00  }
0x7c: {  	[tilespmem:s13], [sflag:$0x1] =	stream.indirect_vreg.gather [hbm4b:s1+s3], $0x80, v3, vm0, $0xb8;
	[tilespmem:$0x1D900] =	vst v63  }
0x7d: {  	s15 =	simm.s32 $0xE500  }
0x7e: {  	[tilespmem:s15], [sflag:$0x1] =	stream.indirect_vreg.gather [hbm4b:s5+s3], $0x80, v3, vm0, $0xb8;
	[tilespmem:$0x1D900] =	vst v63  }
.Ltmp2:
0x7f: {  	_ = 	snop;
	(pc) =	sbr.rel .LBB2_2-.Ltmp2, $4  }
0x80: {  	s13 =	simm.s32 $0xED00  }
0x81: {  	[tilespmem:s13], [sflag:$0x1] =	stream.indirect_vreg.gather [hbm4b:s6+s3], $0x80, v3, vm0, $0xb8;
	[tilespmem:$0x1D900] =	vst v63  }
0x82: {  	s8 =	simm.s32 $0x60;
	s15 =	simm.s32 $0xF500;
	s13 =	simm.s32 $0x0  }
0x83: {  	[tilespmem:s15], [sflag:$0x1] =	stream.indirect_vreg.gather [hbm4b:s7+s3], $0x80, v3, vm1, $0xb8;
	[tilespmem:$0x1D900] =	vst v63  }
.LBB2_4:
0x84: {  	s15 =	sadd.s32 s13, s9;
	s13 =	sadd.s32 $0x3800, s13  }
0x85: {  	p0 =	sne.s32 s13, $0xAF000  }
.Ltmp3:
0x86: {  	_ = 	snop;
	(pc) =	sbr.rel @!p0 .LBB2_5-.Ltmp3, $4  }
0x87: {  	_ =	swait.ge [sflag:s12], $0xE000  }
0x88: {  	[sflag:s12] =	ssyncset.done $0x0  }
0x89: {  	s8 =	sadd.s32 $0x80, s8;
	[sflag:s12] =	ssyncadd.s32 $0xFFFF2000  }
0x8a: {  	[hbm4b:s15+s3] =	stream.linear.scatter [tilespmem:s23], [sflag:$0x4], $0xE000, $0x38;
	[tilespmem:$0x1D900] =	vst v63  }
.LBB2_2:
0x8b: {  	p0 =	seq.s32 s13, $0x0  }
0x8c: {  	s15 =	simm.s32 @!p0 $0x4  }
0x8d: {  	_ =	swait.ge @!p0 [sflag:s15], $0xE000  }
0x8e: {  	[sflag:s15] =	ssyncset.done @!p0 $0x0  }
0x8f: {  	[sflag:s15] =	ssyncadd.s32 @!p0 $0xFFFF2000  }
0x90: {  	v3 =	vld [tilespmem:s8+$0xFFFFFFE0];
	_ =	sdelay $0x4  }
0x91: {  	v4 =	vshrl.u32 v3, $0x3  }
0x92: {  	v4 =	vmul.u32 $0x38, v4  }
0x93: {  	v3 =	vand.u32 $0x7, v3  }
0x94: {  	v3 =	vor.u32 v3, v4  }
0x95: {  	v4 =	vperm.xlane v3, v0;
	_ =	sdelay $0x1  }
0x96: {  	v4 =	vadd.s32 v1, v4;
	_ =	sdelay $0x4  }
0x97: {  	[tilespmem:s23], [sflag:$0x2] =	stream.indirect_vreg.gather [hbm4b:s1+s3], $0x80, v4, vm0, $0xb8;
	[tilespmem:$0x1D900] =	vst v63  }
0x98: {  	s15 =	simm.s32 $0x10100;
	v3 =	vperm.xlane v3, v2  }
0x99: {  	[tilespmem:s15], [sflag:$0x2] =	stream.indirect_vreg.gather [hbm4b:s5+s3], $0x80, v4, vm0, $0xb8;
	[tilespmem:$0x1D900] =	vst v63  }
0x9a: {  	v3 =	vadd.s32 v1, v3;
	s15 =	simm.s32 $0x10900  }
0x9b: {  	[tilespmem:s15], [sflag:$0x2] =	stream.indirect_vreg.gather [hbm4b:s6+s3], $0x80, v4, vm0, $0xb8;
	[tilespmem:$0x1D900] =	vst v63  }
0x9c: {  	s15 =	simm.s32 $0x11100  }
0x9d: {  	[tilespmem:s15], [sflag:$0x2] =	stream.indirect_vreg.gather [hbm4b:s7+s3], $0x80, v4, vm1, $0xb8;
	[tilespmem:$0x1D900] =	vst v63  }
0x9e: {  	s15 =	simm.s32 $0x11500  }
0x9f: {  	[tilespmem:s15], [sflag:$0x2] =	stream.indirect_vreg.gather [hbm4b:s1+s3], $0x80, v3, vm0, $0xb8;
	[tilespmem:$0x1D900] =	vst v63  }
0xa0: {  	s15 =	simm.s32 $0x11D00  }
0xa1: {  	[tilespmem:s15], [sflag:$0x2] =	stream.indirect_vreg.gather [hbm4b:s5+s3], $0x80, v3, vm0, $0xb8;
	[tilespmem:$0x1D900] =	vst v63  }
0xa2: {  	s15 =	simm.s32 $0x12500  }
0xa3: {  	[tilespmem:s15], [sflag:$0x2] =	stream.indirect_vreg.gather [hbm4b:s6+s3], $0x80, v3, vm0, $0xb8;
	[tilespmem:$0x1D900] =	vst v63  }
0xa4: {  	s15 =	simm.s32 $0x12D00  }
0xa5: {  	[tilespmem:s15], [sflag:$0x2] =	stream.indirect_vreg.gather [hbm4b:s7+s3], $0x80, v3, vm1, $0xb8;
	[tilespmem:$0x1D900] =	vst v63  }
0xa6: {  	v3 =	vld [tilespmem:s8+$0xFFFFFFF0];
	_ =	sdelay $0x4  }
0xa7: {  	v61 =	vshrl.u32 v3, $0x3  }
0xa8: {  	v4 =	vmul.u32 $0x38, v61  }
0xa9: {  	v3 =	vand.u32 $0x7, v3  }
0xaa: {  	v3 =	vor.u32 v3, v4  }
0xab: {  	v4 =	vperm.xlane v3, v0;
	_ =	sdelay $0x1  }
0xac: {  	v4 =	vadd.s32 v1, v4;
	_ =	sdelay $0x3  }
0xad: {  	s15 =	simm.s32 $0x13100  }
0xae: {  	[tilespmem:s15], [sflag:$0x2] =	stream.indirect_vreg.gather [hbm4b:s1+s3], $0x80, v4, vm0, $0xb8;
	[tilespmem:$0x1D900] =	vst v63  }
0xaf: {  	v3 =	vperm.xlane v3, v2;
	s15 =	simm.s32 $0x13900  }
0xb0: {  	[tilespmem:s15], [sflag:$0x2] =	stream.indirect_vreg.gather [hbm4b:s5+s3], $0x80, v4, vm0, $0xb8;
	[tilespmem:$0x1D900] =	vst v63  }
0xb1: {  	v3 =	vadd.s32 v1, v3;
	s15 =	simm.s32 $0x14100  }
0xb2: {  	[tilespmem:s15], [sflag:$0x2] =	stream.indirect_vreg.gather [hbm4b:s6+s3], $0x80, v4, vm0, $0xb8;
	[tilespmem:$0x1D900] =	vst v63  }
0xb3: {  	s15 =	simm.s32 $0x14900  }
0xb4: {  	[tilespmem:s15], [sflag:$0x2] =	stream.indirect_vreg.gather [hbm4b:s7+s3], $0x80, v4, vm1, $0xb8;
	[tilespmem:$0x1D900] =	vst v63  }
0xb5: {  	s15 =	simm.s32 $0x14D00  }
0xb6: {  	[tilespmem:s15], [sflag:$0x2] =	stream.indirect_vreg.gather [hbm4b:s1+s3], $0x80, v3, vm0, $0xb8;
	[tilespmem:$0x1D900] =	vst v63  }
0xb7: {  	s15 =	simm.s32 $0x15500  }
0xb8: {  	[tilespmem:s15], [sflag:$0x2] =	stream.indirect_vreg.gather [hbm4b:s5+s3], $0x80, v3, vm0, $0xb8;
	[tilespmem:$0x1D900] =	vst v63  }
0xb9: {  	s15 =	simm.s32 $0x15D00  }
0xba: {  	[tilespmem:s15], [sflag:$0x2] =	stream.indirect_vreg.gather [hbm4b:s6+s3], $0x80, v3, vm0, $0xb8;
	[tilespmem:$0x1D900] =	vst v63  }
0xbb: {  	s15 =	simm.s32 $0x16500  }
0xbc: {  	[tilespmem:s15], [sflag:$0x2] =	stream.indirect_vreg.gather [hbm4b:s7+s3], $0x80, v3, vm1, $0xb8;
	[tilespmem:$0x1D900] =	vst v63  }
0xbd: {  	v3 =	vld [tilespmem:s8+$0x0];
	_ =	sdelay $0x4  }
0xbe: {  	v62 =	vshrl.u32 v3, $0x3  }
0xbf: {  	v4 =	vmul.u32 $0x38, v62  }
0xc0: {  	v3 =	vand.u32 $0x7, v3  }
0xc1: {  	v3 =	vor.u32 v3, v4  }
0xc2: {  	v4 =	vperm.xlane v3, v0;
	_ =	sdelay $0x1  }
0xc3: {  	v4 =	vadd.s32 v1, v4;
	_ =	sdelay $0x4  }
0xc4: {  	[tilespmem:s16], [sflag:$0x2] =	stream.indirect_vreg.gather [hbm4b:s1+s3], $0x80, v4, vm0, $0xb8;
	[tilespmem:$0x1D900] =	vst v63  }
0xc5: {  	v3 =	vperm.xlane v3, v2  }
0xc6: {  	[tilespmem:s17], [sflag:$0x2] =	stream.indirect_vreg.gather [hbm4b:s5+s3], $0x80, v4, vm0, $0xb8;
	[tilespmem:$0x1D900] =	vst v63  }
0xc7: {  	v3 =	vadd.s32 v1, v3  }
0xc8: {  	[tilespmem:s18], [sflag:$0x2] =	stream.indirect_vreg.gather [hbm4b:s6+s3], $0x80, v4, vm0, $0xb8;
	[tilespmem:$0x1D900] =	vst v63  }
0xc9: {  	_ = 	snop  }
0xca: {  	[tilespmem:s19], [sflag:$0x2] =	stream.indirect_vreg.gather [hbm4b:s7+s3], $0x80, v4, vm1, $0xb8;
	[tilespmem:$0x1D900] =	vst v63  }
0xcb: {  	_ = 	snop  }
0xcc: {  	[tilespmem:s20], [sflag:$0x2] =	stream.indirect_vreg.gather [hbm4b:s1+s3], $0x80, v3, vm0, $0xb8;
	[tilespmem:$0x1D900] =	vst v63  }
0xcd: {  	_ = 	snop  }
0xce: {  	[tilespmem:s21], [sflag:$0x2] =	stream.indirect_vreg.gather [hbm4b:s5+s3], $0x80, v3, vm0, $0xb8;
	[tilespmem:$0x1D900] =	vst v63  }
0xcf: {  	_ = 	snop  }
0xd0: {  	[tilespmem:s22], [sflag:$0x2] =	stream.indirect_vreg.gather [hbm4b:s6+s3], $0x80, v3, vm0, $0xb8;
	[tilespmem:$0x1D900] =	vst v63  }
0xd1: {  	_ = 	snop  }
0xd2: {  	[tilespmem:s24], [sflag:$0x2] =	stream.indirect_vreg.gather [hbm4b:s7+s3], $0x80, v3, vm1, $0xb8;
	[tilespmem:$0x1D900] =	vst v63  }
0xd3: {  	v3 =	vld [tilespmem:s8+$0x10];
	_ =	sdelay $0x4  }
0xd4: {  	v63 =	vshrl.u32 v3, $0x3  }
0xd5: {  	v4 =	vmul.u32 $0x38, v63  }
0xd6: {  	v3 =	vand.u32 $0x7, v3  }
0xd7: {  	v3 =	vor.u32 v3, v4  }
0xd8: {  	v4 =	vperm.xlane v3, v0;
	_ =	sdelay $0x1  }
0xd9: {  	v4 =	vadd.s32 v1, v4;
	_ =	sdelay $0x4  }
0xda: {  	[tilespmem:s25], [sflag:$0x2] =	stream.indirect_vreg.gather [hbm4b:s1+s3], $0x80, v4, vm0, $0xb8;
	[tilespmem:$0x1D900] =	vst v63  }
0xdb: {  	v3 =	vperm.xlane v3, v2  }
0xdc: {  	[tilespmem:s26], [sflag:$0x2] =	stream.indirect_vreg.gather [hbm4b:s5+s3], $0x80, v4, vm0, $0xb8;
	[tilespmem:$0x1D900] =	vst v63  }
0xdd: {  	v3 =	vadd.s32 v1, v3  }
0xde: {  	[tilespmem:s28], [sflag:$0x2] =	stream.indirect_vreg.gather [hbm4b:s6+s3], $0x80, v4, vm0, $0xb8;
	[tilespmem:$0x1D900] =	vst v63  }
0xdf: {  	_ = 	snop  }
0xe0: {  	[tilespmem:s29], [sflag:$0x2] =	stream.indirect_vreg.gather [hbm4b:s7+s3], $0x80, v4, vm1, $0xb8;
	[tilespmem:$0x1D900] =	vst v63  }
0xe1: {  	_ = 	snop  }
0xe2: {  	[tilespmem:s30], [sflag:$0x2] =	stream.indirect_vreg.gather [hbm4b:s1+s3], $0x80, v3, vm0, $0xb8;
	[tilespmem:$0x1D900] =	vst v63  }
0xe3: {  	_ = 	snop  }
0xe4: {  	[tilespmem:s31], [sflag:$0x2] =	stream.indirect_vreg.gather [hbm4b:s5+s3], $0x80, v3, vm0, $0xb8;
	[tilespmem:$0x1D900] =	vst v63  }
0xe5: {  	_ = 	snop  }
0xe6: {  	[tilespmem:s2], [sflag:$0x2] =	stream.indirect_vreg.gather [hbm4b:s6+s3], $0x80, v3, vm0, $0xb8;
	[tilespmem:$0x1D900] =	vst v63  }
0xe7: {  	p0 =	seq.s32 s13, $0xAB800  }
0xe8: {  	[tilespmem:s0], [sflag:$0x2] =	stream.indirect_vreg.gather [hbm4b:s7+s3], $0x80, v3, vm1, $0xb8;
	[tilespmem:$0x1D900] =	vst v63  }
.Ltmp4:
0xe9: {  	_ = 	snop;
	(pc) =	sbr.rel @p0 .LBB2_4-.Ltmp4, $4  }
0xea: {  	_ =	swait.ge [sflag:s11], $0xE000  }
0xeb: {  	[sflag:s11] =	ssyncset.done $0x0  }
0xec: {  	s15 =	sadd.s32 s13, s10;
	[sflag:s11] =	ssyncadd.s32 $0xFFFF2000  }
0xed: {  	[hbm4b:s15+s3] =	stream.linear.scatter [tilespmem:s14], [sflag:$0x3], $0xE000, $0x38;
	[tilespmem:$0x1D900] =	vst v63  }
0xee: {  	_ =	swait.ge [sflag:s4], $0xE000  }
0xef: {  	[sflag:s4] =	ssyncset.done $0x0  }
0xf0: {  	[sflag:s4] =	ssyncadd.s32 $0xFFFF2000  }
0xf1: {  	v3 =	vld [tilespmem:s8+$0x20];
	_ =	sdelay $0x4  }
0xf2: {  	v4 =	vshrl.u32 v3, $0x3  }
0xf3: {  	v4 =	vmul.u32 $0x38, v4  }
0xf4: {  	v3 =	vand.u32 $0x7, v3  }
0xf5: {  	v3 =	vor.u32 v3, v4  }
0xf6: {  	v4 =	vperm.xlane v3, v0;
	_ =	sdelay $0x1  }
0xf7: {  	v4 =	vadd.s32 v1, v4;
	_ =	sdelay $0x4  }
0xf8: {  	[tilespmem:s14], [sflag:$0x1] =	stream.indirect_vreg.gather [hbm4b:s1+s3], $0x80, v4, vm0, $0xb8;
	[tilespmem:$0x1D900] =	vst v63  }
0xf9: {  	s15 =	simm.s32 $0x2100;
	v3 =	vperm.xlane v3, v2  }
0xfa: {  	[tilespmem:s15], [sflag:$0x1] =	stream.indirect_vreg.gather [hbm4b:s5+s3], $0x80, v4, vm0, $0xb8;
	[tilespmem:$0x1D900] =	vst v63  }
0xfb: {  	v3 =	vadd.s32 v1, v3;
	s15 =	simm.s32 $0x2900  }
0xfc: {  	[tilespmem:s15], [sflag:$0x1] =	stream.indirect_vreg.gather [hbm4b:s6+s3], $0x80, v4, vm0, $0xb8;
	[tilespmem:$0x1D900] =	vst v63  }
0xfd: {  	s15 =	simm.s32 $0x3100  }
0xfe: {  	[tilespmem:s15], [sflag:$0x1] =	stream.indirect_vreg.gather [hbm4b:s7+s3], $0x80, v4, vm1, $0xb8;
	[tilespmem:$0x1D900] =	vst v63  }
0xff: {  	s15 =	simm.s32 $0x3500  }
0x100: {  	[tilespmem:s15], [sflag:$0x1] =	stream.indirect_vreg.gather [hbm4b:s1+s3], $0x80, v3, vm0, $0xb8;
	[tilespmem:$0x1D900] =	vst v63  }
0x101: {  	s15 =	simm.s32 $0x3D00  }
0x102: {  	[tilespmem:s15], [sflag:$0x1] =	stream.indirect_vreg.gather [hbm4b:s5+s3], $0x80, v3, vm0, $0xb8;
	[tilespmem:$0x1D900] =	vst v63  }
0x103: {  	s15 =	simm.s32 $0x4500  }
0x104: {  	[tilespmem:s15], [sflag:$0x1] =	stream.indirect_vreg.gather [hbm4b:s6+s3], $0x80, v3, vm0, $0xb8;
	[tilespmem:$0x1D900] =	vst v63  }
0x105: {  	s15 =	simm.s32 $0x4D00  }
0x106: {  	[tilespmem:s15], [sflag:$0x1] =	stream.indirect_vreg.gather [hbm4b:s7+s3], $0x80, v3, vm1, $0xb8;
	[tilespmem:$0x1D900] =	vst v63  }
0x107: {  	v3 =	vld [tilespmem:s8+$0x30];
	_ =	sdelay $0x4  }
0x108: {  	v61 =	vshrl.u32 v3, $0x3  }
0x109: {  	v4 =	vmul.u32 $0x38, v61  }
0x10a: {  	v3 =	vand.u32 $0x7, v3  }
0x10b: {  	v3 =	vor.u32 v3, v4  }
0x10c: {  	v4 =	vperm.xlane v3, v0;
	_ =	sdelay $0x1  }
0x10d: {  	v4 =	vadd.s32 v1, v4;
	_ =	sdelay $0x3  }
0x10e: {  	s15 =	simm.s32 $0x5100  }
0x10f: {  	[tilespmem:s15], [sflag:$0x1] =	stream.indirect_vreg.gather [hbm4b:s1+s3], $0x80, v4, vm0, $0xb8;
	[tilespmem:$0x1D900] =	vst v63  }
0x110: {  	v3 =	vperm.xlane v3, v2;
	s15 =	simm.s32 $0x5900  }
0x111: {  	[tilespmem:s15], [sflag:$0x1] =	stream.indirect_vreg.gather [hbm4b:s5+s3], $0x80, v4, vm0, $0xb8;
	[tilespmem:$0x1D900] =	vst v63  }
0x112: {  	v3 =	vadd.s32 v1, v3;
	s15 =	simm.s32 $0x6100  }
0x113: {  	[tilespmem:s15], [sflag:$0x1] =	stream.indirect_vreg.gather [hbm4b:s6+s3], $0x80, v4, vm0, $0xb8;
	[tilespmem:$0x1D900] =	vst v63  }
0x114: {  	s15 =	simm.s32 $0x6900  }
0x115: {  	[tilespmem:s15], [sflag:$0x1] =	stream.indirect_vreg.gather [hbm4b:s7+s3], $0x80, v4, vm1, $0xb8;
	[tilespmem:$0x1D900] =	vst v63  }
0x116: {  	s15 =	simm.s32 $0x6D00  }
0x117: {  	[tilespmem:s15], [sflag:$0x1] =	stream.indirect_vreg.gather [hbm4b:s1+s3], $0x80, v3, vm0, $0xb8;
	[tilespmem:$0x1D900] =	vst v63  }
0x118: {  	s15 =	simm.s32 $0x7500  }
0x119: {  	[tilespmem:s15], [sflag:$0x1] =	stream.indirect_vreg.gather [hbm4b:s5+s3], $0x80, v3, vm0, $0xb8;
	[tilespmem:$0x1D900] =	vst v63  }
0x11a: {  	s15 =	simm.s32 $0x7D00  }
0x11b: {  	[tilespmem:s15], [sflag:$0x1] =	stream.indirect_vreg.gather [hbm4b:s6+s3], $0x80, v3, vm0, $0xb8;
	[tilespmem:$0x1D900] =	vst v63  }
0x11c: {  	s15 =	simm.s32 $0x8500  }
0x11d: {  	[tilespmem:s15], [sflag:$0x1] =	stream.indirect_vreg.gather [hbm4b:s7+s3], $0x80, v3, vm1, $0xb8;
	[tilespmem:$0x1D900] =	vst v63  }
0x11e: {  	v3 =	vld [tilespmem:s8+$0x40];
	_ =	sdelay $0x4  }
0x11f: {  	v62 =	vshrl.u32 v3, $0x3  }
0x120: {  	v4 =	vmul.u32 $0x38, v62  }
0x121: {  	v3 =	vand.u32 $0x7, v3  }
0x122: {  	v3 =	vor.u32 v3, v4  }
0x123: {  	v4 =	vperm.xlane v3, v0;
	_ =	sdelay $0x1  }
0x124: {  	v4 =	vadd.s32 v1, v4;
	_ =	sdelay $0x3  }
0x125: {  	s15 =	simm.s32 $0x8900  }
0x126: {  	[tilespmem:s15], [sflag:$0x1] =	stream.indirect_vreg.gather [hbm4b:s1+s3], $0x80, v4, vm0, $0xb8;
	[tilespmem:$0x1D900] =	vst v63  }
0x127: {  	v3 =	vperm.xlane v3, v2;
	s15 =	simm.s32 $0x9100  }
0x128: {  	[tilespmem:s15], [sflag:$0x1] =	stream.indirect_vreg.gather [hbm4b:s5+s3], $0x80, v4, vm0, $0xb8;
	[tilespmem:$0x1D900] =	vst v63  }
0x129: {  	v3 =	vadd.s32 v1, v3;
	s15 =	simm.s32 $0x9900  }
0x12a: {  	[tilespmem:s15], [sflag:$0x1] =	stream.indirect_vreg.gather [hbm4b:s6+s3], $0x80, v4, vm0, $0xb8;
	[tilespmem:$0x1D900] =	vst v63  }
0x12b: {  	s15 =	simm.s32 $0xA100  }
0x12c: {  	[tilespmem:s15], [sflag:$0x1] =	stream.indirect_vreg.gather [hbm4b:s7+s3], $0x80, v4, vm1, $0xb8;
	[tilespmem:$0x1D900] =	vst v63  }
0x12d: {  	s15 =	simm.s32 $0xA500  }
0x12e: {  	[tilespmem:s15], [sflag:$0x1] =	stream.indirect_vreg.gather [hbm4b:s1+s3], $0x80, v3, vm0, $0xb8;
	[tilespmem:$0x1D900] =	vst v63  }
0x12f: {  	s15 =	simm.s32 $0xAD00  }
0x130: {  	[tilespmem:s15], [sflag:$0x1] =	stream.indirect_vreg.gather [hbm4b:s5+s3], $0x80, v3, vm0, $0xb8;
	[tilespmem:$0x1D900] =	vst v63  }
0x131: {  	s15 =	simm.s32 $0xB500  }
0x132: {  	[tilespmem:s15], [sflag:$0x1] =	stream.indirect_vreg.gather [hbm4b:s6+s3], $0x80, v3, vm0, $0xb8;
	[tilespmem:$0x1D900] =	vst v63  }
0x133: {  	s15 =	simm.s32 $0xBD00  }
0x134: {  	[tilespmem:s15], [sflag:$0x1] =	stream.indirect_vreg.gather [hbm4b:s7+s3], $0x80, v3, vm1, $0xb8;
	[tilespmem:$0x1D900] =	vst v63  }
0x135: {  	v3 =	vld [tilespmem:s8+$0x50];
	_ =	sdelay $0x4  }
0x136: {  	v63 =	vshrl.u32 v3, $0x3  }
0x137: {  	v4 =	vmul.u32 $0x38, v63  }
0x138: {  	v3 =	vand.u32 $0x7, v3  }
0x139: {  	v3 =	vor.u32 v3, v4  }
0x13a: {  	v4 =	vperm.xlane v3, v0;
	_ =	sdelay $0x1  }
0x13b: {  	v4 =	vadd.s32 v1, v4;
	_ =	sdelay $0x3  }
0x13c: {  	s15 =	simm.s32 $0xC100  }
0x13d: {  	[tilespmem:s15], [sflag:$0x1] =	stream.indirect_vreg.gather [hbm4b:s1+s3], $0x80, v4, vm0, $0xb8;
	[tilespmem:$0x1D900] =	vst v63  }
0x13e: {  	v3 =	vperm.xlane v3, v2;
	s15 =	simm.s32 $0xC900  }
0x13f: {  	[tilespmem:s15], [sflag:$0x1] =	stream.indirect_vreg.gather [hbm4b:s5+s3], $0x80, v4, vm0, $0xb8;
	[tilespmem:$0x1D900] =	vst v63  }
0x140: {  	v3 =	vadd.s32 v1, v3;
	s15 =	simm.s32 $0xD100  }
0x141: {  	[tilespmem:s15], [sflag:$0x1] =	stream.indirect_vreg.gather [hbm4b:s6+s3], $0x80, v4, vm0, $0xb8;
	[tilespmem:$0x1D900] =	vst v63  }
0x142: {  	s15 =	simm.s32 $0xD900  }
0x143: {  	[tilespmem:s15], [sflag:$0x1] =	stream.indirect_vreg.gather [hbm4b:s7+s3], $0x80, v4, vm1, $0xb8;
	[tilespmem:$0x1D900] =	vst v63  }
0x144: {  	s15 =	simm.s32 $0xDD00  }
0x145: {  	[tilespmem:s15], [sflag:$0x1] =	stream.indirect_vreg.gather [hbm4b:s1+s3], $0x80, v3, vm0, $0xb8;
	[tilespmem:$0x1D900] =	vst v63  }
0x146: {  	s15 =	simm.s32 $0xE500  }
0x147: {  	[tilespmem:s15], [sflag:$0x1] =	stream.indirect_vreg.gather [hbm4b:s5+s3], $0x80, v3, vm0, $0xb8;
	[tilespmem:$0x1D900] =	vst v63  }
.Ltmp5:
0x148: {  	_ = 	snop;
	(pc) =	sbr.rel .LBB2_4-.Ltmp5, $4  }
0x149: {  	s15 =	simm.s32 $0xED00  }
0x14a: {  	[tilespmem:s15], [sflag:$0x1] =	stream.indirect_vreg.gather [hbm4b:s6+s3], $0x80, v3, vm0, $0xb8;
	[tilespmem:$0x1D900] =	vst v63  }
0x14b: {  	s15 =	simm.s32 $0xF500  }
0x14c: {  	[tilespmem:s15], [sflag:$0x1] =	stream.indirect_vreg.gather [hbm4b:s7+s3], $0x80, v3, vm1, $0xb8;
	[tilespmem:$0x1D900] =	vst v63  }
.LBB2_6:
0x14d: {  	_ =	sfence.sel $0x180000  }
0x14e: {  	[bflag:$0x0] =	sbarrier.arrive $0xFFFF  }
0x14f: {  	_ =	strace $0x90000047  }
0x150: {  	s0 =	stileid.u32;
	[bflag:$0x2] =	sbarrier.arrive $0xFFFF  }
0x151: {  	p0 =	sne.s32 s0, $0x0;
	s0 =	rddreg [dreg:$0x3]  }
0x152: {  	s0 =	sadd.s32 @!p0 $0x100000, s0  }
0x153: {  	[sflag:s0] =	ssyncadd.tile.s32 @!p0 $0x1;
	_ =	shalt  }
.Lfunc_end2:
_tile_overlayer_lowered:
.L_overlay_start_2:
0x154: {  	(tag) =	ssettag $0x2  }
0x155: {  	s0 =	rddreg [dreg:$0x0];
	s2 =	stileid.u32  }
0x156: {  	s1 =	rddreg [dreg:$0x1];
	p0 =	sne.s32 s2, $0x0  }
0x157: {  	s3 =	rddreg [dreg:$0x2];
	[bflag:$0x3] =	sbarrier.arrive $0xFFFF;
	s2 =	simm.s32 @!p0 $0x1C05  }
0x158: {  	[timem:s3], [sflag:s2] =	dma.local @!p0 [hbm:s0], s1  }
0x159: {  	s0 =	simm.s32 @!p0 $0x5  }
0x15a: {  	_ =	swait.ge @!p0 [sflag:s0], s1  }
0x15b: {  	s1 =	ssub.s32 @!p0 $0x0, s1;
	[sflag:s0] =	ssyncset.done @!p0 $0x0  }
0x15c: {  	[sflag:s0] =	ssyncadd.s32 @!p0 s1  }
0x15d: {  	[bflag:$0x3] =	sbarrier.arrive $0xFFFF  }
0x15e: {  	_ =	shalt  }

</sc_bundles>
